<compile_context>
chip_gen: v7x
topology: tpu7x:2x2x1
jax: 0.10.2.dev20260603
libtpu: 0.0.44.dev20260713+nightly
codegen_flags: <defaults>
</compile_context>

<pallas_src>
import functools

import jax
import jax.numpy as jnp
from jax import lax
from jax.experimental import pallas as pl
from jax.experimental.pallas import tpu as pltpu
from jax.experimental.pallas import tpu_sc as plsc

NC, NS = 2, 16
NW = NC * NS
K = 8
NBUF = 4
LAG = 2


def _make_gather(n_ids: int, hidden: int):
  bpw = n_ids // NW
  nch = bpw // K
  mesh = plsc.VectorSubcoreMesh(core_axis_name="c", subcore_axis_name="s")

  @functools.partial(
      pl.kernel,
      mesh=mesh,
      out_type=jax.ShapeDtypeStruct((n_ids, hidden), jnp.float32),
      scratch_types=[
          pltpu.VMEM((bpw,), jnp.int32),
          [pltpu.VMEM((K, hidden), jnp.float32) for _ in range(NBUF)],
          [pltpu.SemaphoreType.DMA for _ in range(NBUF)],
          [pltpu.SemaphoreType.DMA for _ in range(NBUF)],
      ],
  )
  def gather(tbl_hbm, idx_hbm, out_hbm, idx_v, bufs, gsems, ssems):
    wid = lax.axis_index("s") * NC + lax.axis_index("c")
    base = pl.multiple_of(wid * bpw, 8)
    pltpu.sync_copy(idx_hbm.at[pl.ds(base, bpw)], idx_v)

    def g_desc(ch, j):
      off = pl.multiple_of(ch * K, 8)
      return pltpu.make_async_copy(
          tbl_hbm.at[idx_v.at[pl.ds(off, K)]], bufs[j], gsems[j])

    def s_desc(ch, j):
      off = pl.multiple_of(ch * K, 8)
      return pltpu.make_async_copy(
          bufs[j], out_hbm.at[pl.ds(base + off, K)], ssems[j])

    for j in range(NBUF - LAG):
      g_desc(j, j).start()

    @pl.loop(0, nch, step=NBUF)
    def _(t):
      for j in range(NBUF):
        ch = t + j
        g_desc(ch, j).wait()
        s_desc(ch, j).start()
        jn = (j + NBUF - LAG) % NBUF

        @pl.when(ch + NBUF - LAG < nch)
        def _():
          @pl.when(ch + NBUF - LAG >= NBUF)
          def _():
            s_desc(ch - LAG, jn).wait()
          g_desc(ch + NBUF - LAG, jn).start()

    for c in range(nch - NBUF, nch):
      s_desc(c, c % NBUF).wait()

  return gather


@jax.jit
def kernel(input_ids, embed_table):
  b, s = input_ids.shape
  v, h = embed_table.shape
  ids = input_ids.reshape(b * s).astype(jnp.int32)
  out = _make_gather(b * s, h)(embed_table, ids)
  return out.reshape(b, s, h)

# --- scband reference (transcript-rebuilt; emitter-appended) ---
"""Pipeline reference for scband-embedding-66984309948667 (READ-ONLY COPY).

The authoritative reference and input builder live on the scoring server;
editing this copy changes nothing except your own understanding.
"""

import jax, jax.numpy as jnp
import numpy as np

VOCAB = 151936
HIDDEN = 2048
BATCH = 4
SEQ = 4096


def setup_inputs(seed: int = 0) -> dict:
    key = jax.random.key(seed)
    k_ids, k_tab = jax.random.split(key)
    input_ids = jax.random.randint(k_ids, (BATCH, SEQ), 0, VOCAB, dtype=jnp.int64 if jax.config.jax_enable_x64 else jnp.int32)
    embed_table = jax.random.normal(k_tab, (VOCAB, HIDDEN), dtype=jnp.float32) * 0.02
    return {"input_ids": input_ids, "embed_table": embed_table}


def reference(input_ids, embed_table):
    # nn.Embedding forward: row gather from the embedding table
    # (batch, seq) int ids -> (batch, seq, hidden)
    return jnp.take(embed_table, input_ids, axis=0)

if __name__ == "__main__":
    import jax
    _d = setup_inputs()
    print(jax.jit(kernel)(*tuple(_d.values())))

</pallas_src>

<mosaic_0001>
#map = affine_map<(d0, d1) -> (0, 0)>
#map1 = affine_map<(d0, d1) -> (0)>
module attributes {stable_mosaic.version = 14 : i64} {
  func.func @gather(%arg0: i32, %arg1: i32, %arg2: memref<151936x2048xf32, #tpu.memory_space<hbm>>, %arg3: memref<16384xi32, #tpu.memory_space<hbm>>, %arg4: memref<16384x2048xf32, #tpu.memory_space<hbm>>, %arg5: memref<512xi32, #tpu.memory_space<vmem>>, %arg6: memref<8x2048xf32, #tpu.memory_space<vmem>>, %arg7: memref<8x2048xf32, #tpu.memory_space<vmem>>, %arg8: memref<8x2048xf32, #tpu.memory_space<vmem>>, %arg9: memref<8x2048xf32, #tpu.memory_space<vmem>>, %arg10: memref<!tpu.dma_semaphore, #tpu.memory_space<semaphore_mem>>, %arg11: memref<!tpu.dma_semaphore, #tpu.memory_space<semaphore_mem>>, %arg12: memref<!tpu.dma_semaphore, #tpu.memory_space<semaphore_mem>>, %arg13: memref<!tpu.dma_semaphore, #tpu.memory_space<semaphore_mem>>, %arg14: memref<!tpu.dma_semaphore, #tpu.memory_space<semaphore_mem>>, %arg15: memref<!tpu.dma_semaphore, #tpu.memory_space<semaphore_mem>>, %arg16: memref<!tpu.dma_semaphore, #tpu.memory_space<semaphore_mem>>, %arg17: memref<!tpu.dma_semaphore, #tpu.memory_space<semaphore_mem>>) attributes {dimension_semantics = [#tpu.dimension_semantics<core_parallel>, #tpu.dimension_semantics<subcore_parallel>], iteration_bounds = array<i64: 2, 16>, scalar_prefetch = 0 : i64, scratch_operands = 13 : i64, tpu.core_type = #tpu.core_type<sc_vector_subcore>, window_params = [{transform_indices = #map}, {transform_indices = #map1}, {transform_indices = #map}]} {
    %mul3A = arith.constant 2 : i32
    %mul3A_0 = arith.muli %arg1, %mul3A : i32
    %add3A = arith.addi %mul3A_0, %arg0 : i32
    %mul3A_1 = arith.constant 512 : i32
    %mul3A_2 = arith.muli %add3A, %mul3A_1 : i32
    %multiple_of3A = tpu.assume_multiple %mul3A_2, 8 : i32
    "tpu.region"() ({
      %run_scoped3A = tpu.sem_alloc : memref<!tpu.dma_semaphore, #tpu.memory_space<semaphore_mem>>
      %dma_start3A_45 = tpu.memref_slice %arg3[%multiple_of3A] : memref<16384xi32, #tpu.memory_space<hbm>> -> memref<512xi32, #tpu.memory_space<hbm>>
      %dma_start3A_46 = tpu.memref_slice %arg3[%multiple_of3A] : memref<16384xi32, #tpu.memory_space<hbm>> -> memref<512xi32, #tpu.memory_space<hbm>>
      tpu.enqueue_dma source(%dma_start3A_46 : memref<512xi32, #tpu.memory_space<hbm>>) target(%arg5 : memref<512xi32, #tpu.memory_space<vmem>>) target_semaphore(%run_scoped3A : memref<!tpu.dma_semaphore, #tpu.memory_space<semaphore_mem>>)
      %dma_wait3A_47 = tpu.memref_slice %arg3[%multiple_of3A] : memref<16384xi32, #tpu.memory_space<hbm>> -> memref<512xi32, #tpu.memory_space<hbm>>
      %dma_wait3A_48 = tpu.memref_slice %arg3[%multiple_of3A] : memref<16384xi32, #tpu.memory_space<hbm>> -> memref<512xi32, #tpu.memory_space<hbm>>
      tpu.wait_dma2 semaphore(%run_scoped3A : memref<!tpu.dma_semaphore, #tpu.memory_space<semaphore_mem>>) src(%dma_wait3A_48 : memref<512xi32, #tpu.memory_space<hbm>>) dst(%arg5 : memref<512xi32, #tpu.memory_space<vmem>>)
      tpu.yield
    }) : () -> ()
    %multiple_of3A_3 = arith.constant 0 : i32
    %multiple_of3A_4 = tpu.assume_multiple %multiple_of3A_3, 8 : i32
    %dma_start3A = tpu.memref_slice %arg5[%multiple_of3A_4] : memref<512xi32, #tpu.memory_space<vmem>> -> memref<8xi32, #tpu.memory_space<vmem>>
    %dma_start3A_5 = arith.constant 0 : i32
    %dma_start3A_6 = arith.constant 0 : i32
    %dma_start3A_7 = tpu.memref_slice %arg2[%dma_start3A_5, %dma_start3A_6] : memref<151936x2048xf32, #tpu.memory_space<hbm>> -> memref<151936x2048xf32, #tpu.memory_space<hbm>>
    tpu.enqueue_indirect_dma source(%dma_start3A_7 : memref<151936x2048xf32, #tpu.memory_space<hbm>>) target(%arg6 : memref<8x2048xf32, #tpu.memory_space<vmem>>) offsets(%dma_start3A : memref<8xi32, #tpu.memory_space<vmem>>) semaphore(%arg10 : memref<!tpu.dma_semaphore, #tpu.memory_space<semaphore_mem>>)
    %multiple_of3A_8 = arith.constant 8 : i32
    %multiple_of3A_9 = tpu.assume_multiple %multiple_of3A_8, 8 : i32
    %dma_start3A_10 = tpu.memref_slice %arg5[%multiple_of3A_9] : memref<512xi32, #tpu.memory_space<vmem>> -> memref<8xi32, #tpu.memory_space<vmem>>
    %dma_start3A_11 = arith.constant 0 : i32
    %dma_start3A_12 = arith.constant 0 : i32
    %dma_start3A_13 = tpu.memref_slice %arg2[%dma_start3A_11, %dma_start3A_12] : memref<151936x2048xf32, #tpu.memory_space<hbm>> -> memref<151936x2048xf32, #tpu.memory_space<hbm>>
    tpu.enqueue_indirect_dma source(%dma_start3A_13 : memref<151936x2048xf32, #tpu.memory_space<hbm>>) target(%arg7 : memref<8x2048xf32, #tpu.memory_space<vmem>>) offsets(%dma_start3A_10 : memref<8xi32, #tpu.memory_space<vmem>>) semaphore(%arg11 : memref<!tpu.dma_semaphore, #tpu.memory_space<semaphore_mem>>)
    %scan3A = arith.constant 0 : i32
    %scan3A_14 = arith.constant 16 : i32
    %scan3A_15 = arith.addi %scan3A, %scan3A_14 : i32
    %scan3A_16 = arith.constant 1 : i32
    scf.for %scan3A_45 = %scan3A to %scan3A_15 step %scan3A_16  : i32 {
      %mul3A_46 = arith.constant 4 : i32
      %mul3A_47 = arith.muli %scan3A_45, %mul3A_46 : i32
      %add3A_48 = arith.constant 0 : i32
      %add3A_49 = arith.addi %add3A_48, %mul3A_47 : i32
      %add3A_50 = arith.constant 0 : i32
      %add3A_51 = arith.addi %add3A_49, %add3A_50 : i32
      %mul3A_52 = arith.constant 8 : i32
      %mul3A_53 = arith.muli %add3A_51, %mul3A_52 : i32
      %multiple_of3A_54 = tpu.assume_multiple %mul3A_53, 8 : i32
      %dma_wait3A_55 = tpu.memref_slice %arg5[%multiple_of3A_54] : memref<512xi32, #tpu.memory_space<vmem>> -> memref<8xi32, #tpu.memory_space<vmem>>
      %dma_wait3A_56 = arith.constant 0 : i32
      %dma_wait3A_57 = arith.constant 0 : i32
      %dma_wait3A_58 = tpu.memref_slice %arg2[%dma_wait3A_56, %dma_wait3A_57] : memref<151936x2048xf32, #tpu.memory_space<hbm>> -> memref<151936x2048xf32, #tpu.memory_space<hbm>>
      tpu.wait_indirect_dma semaphore(%arg10 : memref<!tpu.dma_semaphore, #tpu.memory_space<semaphore_mem>>) src(%dma_wait3A_58 : memref<151936x2048xf32, #tpu.memory_space<hbm>>) dst(%arg6 : memref<8x2048xf32, #tpu.memory_space<vmem>>)
      %mul3A_59 = arith.constant 8 : i32
      %mul3A_60 = arith.muli %add3A_51, %mul3A_59 : i32
      %multiple_of3A_61 = tpu.assume_multiple %mul3A_60, 8 : i32
      %add3A_62 = arith.addi %multiple_of3A, %multiple_of3A_61 : i32
      %dma_start3A_63 = arith.constant 0 : i32
      %dma_start3A_64 = tpu.memref_slice %arg4[%add3A_62, %dma_start3A_63] : memref<16384x2048xf32, #tpu.memory_space<hbm>> -> memref<8x2048xf32, #tpu.memory_space<hbm>>
      %dma_start3A_65 = arith.constant 0 : i32
      %dma_start3A_66 = tpu.memref_slice %arg4[%add3A_62, %dma_start3A_65] : memref<16384x2048xf32, #tpu.memory_space<hbm>> -> memref<8x2048xf32, #tpu.memory_space<hbm>>
      tpu.enqueue_dma source(%arg6 : memref<8x2048xf32, #tpu.memory_space<vmem>>) target(%dma_start3A_66 : memref<8x2048xf32, #tpu.memory_space<hbm>>) target_semaphore(%arg14 : memref<!tpu.dma_semaphore, #tpu.memory_space<semaphore_mem>>)
      %add3A_67 = arith.constant 4 : i32
      %add3A_68 = arith.addi %add3A_51, %add3A_67 : i32
      %sub3A = arith.constant 2 : i32
      %sub3A_69 = arith.subi %add3A_68, %sub3A : i32
      %lt3A = arith.constant 64 : i32
      %lt3A_70 = arith.cmpi slt, %sub3A_69, %lt3A : i32
      %convert_element_type3A = arith.extui %lt3A_70 : i1 to i32
      %cond3A = arith.constant 0 : i32
      %cond3A_71 = arith.cmpi ne, %convert_element_type3A, %cond3A : i32
      scf.if %cond3A_71 {
        %add3A_150 = arith.constant 4 : i32
        %add3A_151 = arith.addi %add3A_51, %add3A_150 : i32
        %sub3A_152 = arith.constant 2 : i32
        %sub3A_153 = arith.subi %add3A_151, %sub3A_152 : i32
        %ge3A = arith.constant 4 : i32
        %ge3A_154 = arith.cmpi sge, %sub3A_153, %ge3A : i32
        %convert_element_type3A_155 = arith.extui %ge3A_154 : i1 to i32
        %cond3A_156 = arith.constant 0 : i32
        %cond3A_157 = arith.cmpi ne, %convert_element_type3A_155, %cond3A_156 : i32
        scf.if %cond3A_157 {
          %sub3A_169 = arith.constant 2 : i32
          %sub3A_170 = arith.subi %add3A_51, %sub3A_169 : i32
          %mul3A_171 = arith.constant 8 : i32
          %mul3A_172 = arith.muli %sub3A_170, %mul3A_171 : i32
          %multiple_of3A_173 = tpu.assume_multiple %mul3A_172, 8 : i32
          %add3A_174 = arith.addi %multiple_of3A, %multiple_of3A_173 : i32
          %dma_wait3A_175 = arith.constant 0 : i32
          %dma_wait3A_176 = tpu.memref_slice %arg4[%add3A_174, %dma_wait3A_175] : memref<16384x2048xf32, #tpu.memory_space<hbm>> -> memref<8x2048xf32, #tpu.memory_space<hbm>>
          %dma_wait3A_177 = arith.constant 0 : i32
          %dma_wait3A_178 = tpu.memref_slice %arg4[%add3A_174, %dma_wait3A_177] : memref<16384x2048xf32, #tpu.memory_space<hbm>> -> memref<8x2048xf32, #tpu.memory_space<hbm>>
          tpu.wait_dma2 semaphore(%arg16 : memref<!tpu.dma_semaphore, #tpu.memory_space<semaphore_mem>>) src(%arg8 : memref<8x2048xf32, #tpu.memory_space<vmem>>) dst(%dma_wait3A_178 : memref<8x2048xf32, #tpu.memory_space<hbm>>)
        } else {
        }
        %add3A_158 = arith.constant 4 : i32
        %add3A_159 = arith.addi %add3A_51, %add3A_158 : i32
        %sub3A_160 = arith.constant 2 : i32
        %sub3A_161 = arith.subi %add3A_159, %sub3A_160 : i32
        %mul3A_162 = arith.constant 8 : i32
        %mul3A_163 = arith.muli %sub3A_161, %mul3A_162 : i32
        %multiple_of3A_164 = tpu.assume_multiple %mul3A_163, 8 : i32
        %dma_start3A_165 = tpu.memref_slice %arg5[%multiple_of3A_164] : memref<512xi32, #tpu.memory_space<vmem>> -> memref<8xi32, #tpu.memory_space<vmem>>
        %dma_start3A_166 = arith.constant 0 : i32
        %dma_start3A_167 = arith.constant 0 : i32
        %dma_start3A_168 = tpu.memref_slice %arg2[%dma_start3A_166, %dma_start3A_167] : memref<151936x2048xf32, #tpu.memory_space<hbm>> -> memref<151936x2048xf32, #tpu.memory_space<hbm>>
        tpu.enqueue_indirect_dma source(%dma_start3A_168 : memref<151936x2048xf32, #tpu.memory_space<hbm>>) target(%arg8 : memref<8x2048xf32, #tpu.memory_space<vmem>>) offsets(%dma_start3A_165 : memref<8xi32, #tpu.memory_space<vmem>>) semaphore(%arg12 : memref<!tpu.dma_semaphore, #tpu.memory_space<semaphore_mem>>)
      } else {
      }
      %add3A_72 = arith.constant 1 : i32
      %add3A_73 = arith.addi %add3A_49, %add3A_72 : i32
      %mul3A_74 = arith.constant 8 : i32
      %mul3A_75 = arith.muli %add3A_73, %mul3A_74 : i32
      %multiple_of3A_76 = tpu.assume_multiple %mul3A_75, 8 : i32
      %dma_wait3A_77 = tpu.memref_slice %arg5[%multiple_of3A_76] : memref<512xi32, #tpu.memory_space<vmem>> -> memref<8xi32, #tpu.memory_space<vmem>>
      %dma_wait3A_78 = arith.constant 0 : i32
      %dma_wait3A_79 = arith.constant 0 : i32
      %dma_wait3A_80 = tpu.memref_slice %arg2[%dma_wait3A_78, %dma_wait3A_79] : memref<151936x2048xf32, #tpu.memory_space<hbm>> -> memref<151936x2048xf32, #tpu.memory_space<hbm>>
      tpu.wait_indirect_dma semaphore(%arg11 : memref<!tpu.dma_semaphore, #tpu.memory_space<semaphore_mem>>) src(%dma_wait3A_80 : memref<151936x2048xf32, #tpu.memory_space<hbm>>) dst(%arg7 : memref<8x2048xf32, #tpu.memory_space<vmem>>)
      %mul3A_81 = arith.constant 8 : i32
      %mul3A_82 = arith.muli %add3A_73, %mul3A_81 : i32
      %multiple_of3A_83 = tpu.assume_multiple %mul3A_82, 8 : i32
      %add3A_84 = arith.addi %multiple_of3A, %multiple_of3A_83 : i32
      %dma_start3A_85 = arith.constant 0 : i32
      %dma_start3A_86 = tpu.memref_slice %arg4[%add3A_84, %dma_start3A_85] : memref<16384x2048xf32, #tpu.memory_space<hbm>> -> memref<8x2048xf32, #tpu.memory_space<hbm>>
      %dma_start3A_87 = arith.constant 0 : i32
      %dma_start3A_88 = tpu.memref_slice %arg4[%add3A_84, %dma_start3A_87] : memref<16384x2048xf32, #tpu.memory_space<hbm>> -> memref<8x2048xf32, #tpu.memory_space<hbm>>
      tpu.enqueue_dma source(%arg7 : memref<8x2048xf32, #tpu.memory_space<vmem>>) target(%dma_start3A_88 : memref<8x2048xf32, #tpu.memory_space<hbm>>) target_semaphore(%arg15 : memref<!tpu.dma_semaphore, #tpu.memory_space<semaphore_mem>>)
      %add3A_89 = arith.constant 4 : i32
      %add3A_90 = arith.addi %add3A_73, %add3A_89 : i32
      %sub3A_91 = arith.constant 2 : i32
      %sub3A_92 = arith.subi %add3A_90, %sub3A_91 : i32
      %lt3A_93 = arith.constant 64 : i32
      %lt3A_94 = arith.cmpi slt, %sub3A_92, %lt3A_93 : i32
      %convert_element_type3A_95 = arith.extui %lt3A_94 : i1 to i32
      %cond3A_96 = arith.constant 0 : i32
      %cond3A_97 = arith.cmpi ne, %convert_element_type3A_95, %cond3A_96 : i32
      scf.if %cond3A_97 {
        %add3A_150 = arith.constant 4 : i32
        %add3A_151 = arith.addi %add3A_73, %add3A_150 : i32
        %sub3A_152 = arith.constant 2 : i32
        %sub3A_153 = arith.subi %add3A_151, %sub3A_152 : i32
        %ge3A = arith.constant 4 : i32
        %ge3A_154 = arith.cmpi sge, %sub3A_153, %ge3A : i32
        %convert_element_type3A_155 = arith.extui %ge3A_154 : i1 to i32
        %cond3A_156 = arith.constant 0 : i32
        %cond3A_157 = arith.cmpi ne, %convert_element_type3A_155, %cond3A_156 : i32
        scf.if %cond3A_157 {
          %sub3A_169 = arith.constant 2 : i32
          %sub3A_170 = arith.subi %add3A_73, %sub3A_169 : i32
          %mul3A_171 = arith.constant 8 : i32
          %mul3A_172 = arith.muli %sub3A_170, %mul3A_171 : i32
          %multiple_of3A_173 = tpu.assume_multiple %mul3A_172, 8 : i32
          %add3A_174 = arith.addi %multiple_of3A, %multiple_of3A_173 : i32
          %dma_wait3A_175 = arith.constant 0 : i32
          %dma_wait3A_176 = tpu.memref_slice %arg4[%add3A_174, %dma_wait3A_175] : memref<16384x2048xf32, #tpu.memory_space<hbm>> -> memref<8x2048xf32, #tpu.memory_space<hbm>>
          %dma_wait3A_177 = arith.constant 0 : i32
          %dma_wait3A_178 = tpu.memref_slice %arg4[%add3A_174, %dma_wait3A_177] : memref<16384x2048xf32, #tpu.memory_space<hbm>> -> memref<8x2048xf32, #tpu.memory_space<hbm>>
          tpu.wait_dma2 semaphore(%arg17 : memref<!tpu.dma_semaphore, #tpu.memory_space<semaphore_mem>>) src(%arg9 : memref<8x2048xf32, #tpu.memory_space<vmem>>) dst(%dma_wait3A_178 : memref<8x2048xf32, #tpu.memory_space<hbm>>)
        } else {
        }
        %add3A_158 = arith.constant 4 : i32
        %add3A_159 = arith.addi %add3A_73, %add3A_158 : i32
        %sub3A_160 = arith.constant 2 : i32
        %sub3A_161 = arith.subi %add3A_159, %sub3A_160 : i32
        %mul3A_162 = arith.constant 8 : i32
        %mul3A_163 = arith.muli %sub3A_161, %mul3A_162 : i32
        %multiple_of3A_164 = tpu.assume_multiple %mul3A_163, 8 : i32
        %dma_start3A_165 = tpu.memref_slice %arg5[%multiple_of3A_164] : memref<512xi32, #tpu.memory_space<vmem>> -> memref<8xi32, #tpu.memory_space<vmem>>
        %dma_start3A_166 = arith.constant 0 : i32
        %dma_start3A_167 = arith.constant 0 : i32
        %dma_start3A_168 = tpu.memref_slice %arg2[%dma_start3A_166, %dma_start3A_167] : memref<151936x2048xf32, #tpu.memory_space<hbm>> -> memref<151936x2048xf32, #tpu.memory_space<hbm>>
        tpu.enqueue_indirect_dma source(%dma_start3A_168 : memref<151936x2048xf32, #tpu.memory_space<hbm>>) target(%arg9 : memref<8x2048xf32, #tpu.memory_space<vmem>>) offsets(%dma_start3A_165 : memref<8xi32, #tpu.memory_space<vmem>>) semaphore(%arg13 : memref<!tpu.dma_semaphore, #tpu.memory_space<semaphore_mem>>)
      } else {
      }
      %add3A_98 = arith.constant 2 : i32
      %add3A_99 = arith.addi %add3A_49, %add3A_98 : i32
      %mul3A_100 = arith.constant 8 : i32
      %mul3A_101 = arith.muli %add3A_99, %mul3A_100 : i32
      %multiple_of3A_102 = tpu.assume_multiple %mul3A_101, 8 : i32
      %dma_wait3A_103 = tpu.memref_slice %arg5[%multiple_of3A_102] : memref<512xi32, #tpu.memory_space<vmem>> -> memref<8xi32, #tpu.memory_space<vmem>>
      %dma_wait3A_104 = arith.constant 0 : i32
      %dma_wait3A_105 = arith.constant 0 : i32
      %dma_wait3A_106 = tpu.memref_slice %arg2[%dma_wait3A_104, %dma_wait3A_105] : memref<151936x2048xf32, #tpu.memory_space<hbm>> -> memref<151936x2048xf32, #tpu.memory_space<hbm>>
      tpu.wait_indirect_dma semaphore(%arg12 : memref<!tpu.dma_semaphore, #tpu.memory_space<semaphore_mem>>) src(%dma_wait3A_106 : memref<151936x2048xf32, #tpu.memory_space<hbm>>) dst(%arg8 : memref<8x2048xf32, #tpu.memory_space<vmem>>)
      %mul3A_107 = arith.constant 8 : i32
      %mul3A_108 = arith.muli %add3A_99, %mul3A_107 : i32
      %multiple_of3A_109 = tpu.assume_multiple %mul3A_108, 8 : i32
      %add3A_110 = arith.addi %multiple_of3A, %multiple_of3A_109 : i32
      %dma_start3A_111 = arith.constant 0 : i32
      %dma_start3A_112 = tpu.memref_slice %arg4[%add3A_110, %dma_start3A_111] : memref<16384x2048xf32, #tpu.memory_space<hbm>> -> memref<8x2048xf32, #tpu.memory_space<hbm>>
      %dma_start3A_113 = arith.constant 0 : i32
      %dma_start3A_114 = tpu.memref_slice %arg4[%add3A_110, %dma_start3A_113] : memref<16384x2048xf32, #tpu.memory_space<hbm>> -> memref<8x2048xf32, #tpu.memory_space<hbm>>
      tpu.enqueue_dma source(%arg8 : memref<8x2048xf32, #tpu.memory_space<vmem>>) target(%dma_start3A_114 : memref<8x2048xf32, #tpu.memory_space<hbm>>) target_semaphore(%arg16 : memref<!tpu.dma_semaphore, #tpu.memory_space<semaphore_mem>>)
      %add3A_115 = arith.constant 4 : i32
      %add3A_116 = arith.addi %add3A_99, %add3A_115 : i32
      %sub3A_117 = arith.constant 2 : i32
      %sub3A_118 = arith.subi %add3A_116, %sub3A_117 : i32
      %lt3A_119 = arith.constant 64 : i32
      %lt3A_120 = arith.cmpi slt, %sub3A_118, %lt3A_119 : i32
      %convert_element_type3A_121 = arith.extui %lt3A_120 : i1 to i32
      %cond3A_122 = arith.constant 0 : i32
      %cond3A_123 = arith.cmpi ne, %convert_element_type3A_121, %cond3A_122 : i32
      scf.if %cond3A_123 {
        %add3A_150 = arith.constant 4 : i32
        %add3A_151 = arith.addi %add3A_99, %add3A_150 : i32
        %sub3A_152 = arith.constant 2 : i32
        %sub3A_153 = arith.subi %add3A_151, %sub3A_152 : i32
        %ge3A = arith.constant 4 : i32
        %ge3A_154 = arith.cmpi sge, %sub3A_153, %ge3A : i32
        %convert_element_type3A_155 = arith.extui %ge3A_154 : i1 to i32
        %cond3A_156 = arith.constant 0 : i32
        %cond3A_157 = arith.cmpi ne, %convert_element_type3A_155, %cond3A_156 : i32
        scf.if %cond3A_157 {
          %sub3A_169 = arith.constant 2 : i32
          %sub3A_170 = arith.subi %add3A_99, %sub3A_169 : i32
          %mul3A_171 = arith.constant 8 : i32
          %mul3A_172 = arith.muli %sub3A_170, %mul3A_171 : i32
          %multiple_of3A_173 = tpu.assume_multiple %mul3A_172, 8 : i32
          %add3A_174 = arith.addi %multiple_of3A, %multiple_of3A_173 : i32
          %dma_wait3A_175 = arith.constant 0 : i32
          %dma_wait3A_176 = tpu.memref_slice %arg4[%add3A_174, %dma_wait3A_175] : memref<16384x2048xf32, #tpu.memory_space<hbm>> -> memref<8x2048xf32, #tpu.memory_space<hbm>>
          %dma_wait3A_177 = arith.constant 0 : i32
          %dma_wait3A_178 = tpu.memref_slice %arg4[%add3A_174, %dma_wait3A_177] : memref<16384x2048xf32, #tpu.memory_space<hbm>> -> memref<8x2048xf32, #tpu.memory_space<hbm>>
          tpu.wait_dma2 semaphore(%arg14 : memref<!tpu.dma_semaphore, #tpu.memory_space<semaphore_mem>>) src(%arg6 : memref<8x2048xf32, #tpu.memory_space<vmem>>) dst(%dma_wait3A_178 : memref<8x2048xf32, #tpu.memory_space<hbm>>)
        } else {
        }
        %add3A_158 = arith.constant 4 : i32
        %add3A_159 = arith.addi %add3A_99, %add3A_158 : i32
        %sub3A_160 = arith.constant 2 : i32
        %sub3A_161 = arith.subi %add3A_159, %sub3A_160 : i32
        %mul3A_162 = arith.constant 8 : i32
        %mul3A_163 = arith.muli %sub3A_161, %mul3A_162 : i32
        %multiple_of3A_164 = tpu.assume_multiple %mul3A_163, 8 : i32
        %dma_start3A_165 = tpu.memref_slice %arg5[%multiple_of3A_164] : memref<512xi32, #tpu.memory_space<vmem>> -> memref<8xi32, #tpu.memory_space<vmem>>
        %dma_start3A_166 = arith.constant 0 : i32
        %dma_start3A_167 = arith.constant 0 : i32
        %dma_start3A_168 = tpu.memref_slice %arg2[%dma_start3A_166, %dma_start3A_167] : memref<151936x2048xf32, #tpu.memory_space<hbm>> -> memref<151936x2048xf32, #tpu.memory_space<hbm>>
        tpu.enqueue_indirect_dma source(%dma_start3A_168 : memref<151936x2048xf32, #tpu.memory_space<hbm>>) target(%arg6 : memref<8x2048xf32, #tpu.memory_space<vmem>>) offsets(%dma_start3A_165 : memref<8xi32, #tpu.memory_space<vmem>>) semaphore(%arg10 : memref<!tpu.dma_semaphore, #tpu.memory_space<semaphore_mem>>)
      } else {
      }
      %add3A_124 = arith.constant 3 : i32
      %add3A_125 = arith.addi %add3A_49, %add3A_124 : i32
      %mul3A_126 = arith.constant 8 : i32
      %mul3A_127 = arith.muli %add3A_125, %mul3A_126 : i32
      %multiple_of3A_128 = tpu.assume_multiple %mul3A_127, 8 : i32
      %dma_wait3A_129 = tpu.memref_slice %arg5[%multiple_of3A_128] : memref<512xi32, #tpu.memory_space<vmem>> -> memref<8xi32, #tpu.memory_space<vmem>>
      %dma_wait3A_130 = arith.constant 0 : i32
      %dma_wait3A_131 = arith.constant 0 : i32
      %dma_wait3A_132 = tpu.memref_slice %arg2[%dma_wait3A_130, %dma_wait3A_131] : memref<151936x2048xf32, #tpu.memory_space<hbm>> -> memref<151936x2048xf32, #tpu.memory_space<hbm>>
      tpu.wait_indirect_dma semaphore(%arg13 : memref<!tpu.dma_semaphore, #tpu.memory_space<semaphore_mem>>) src(%dma_wait3A_132 : memref<151936x2048xf32, #tpu.memory_space<hbm>>) dst(%arg9 : memref<8x2048xf32, #tpu.memory_space<vmem>>)
      %mul3A_133 = arith.constant 8 : i32
      %mul3A_134 = arith.muli %add3A_125, %mul3A_133 : i32
      %multiple_of3A_135 = tpu.assume_multiple %mul3A_134, 8 : i32
      %add3A_136 = arith.addi %multiple_of3A, %multiple_of3A_135 : i32
      %dma_start3A_137 = arith.constant 0 : i32
      %dma_start3A_138 = tpu.memref_slice %arg4[%add3A_136, %dma_start3A_137] : memref<16384x2048xf32, #tpu.memory_space<hbm>> -> memref<8x2048xf32, #tpu.memory_space<hbm>>
      %dma_start3A_139 = arith.constant 0 : i32
      %dma_start3A_140 = tpu.memref_slice %arg4[%add3A_136, %dma_start3A_139] : memref<16384x2048xf32, #tpu.memory_space<hbm>> -> memref<8x2048xf32, #tpu.memory_space<hbm>>
      tpu.enqueue_dma source(%arg9 : memref<8x2048xf32, #tpu.memory_space<vmem>>) target(%dma_start3A_140 : memref<8x2048xf32, #tpu.memory_space<hbm>>) target_semaphore(%arg17 : memref<!tpu.dma_semaphore, #tpu.memory_space<semaphore_mem>>)
      %add3A_141 = arith.constant 4 : i32
      %add3A_142 = arith.addi %add3A_125, %add3A_141 : i32
      %sub3A_143 = arith.constant 2 : i32
      %sub3A_144 = arith.subi %add3A_142, %sub3A_143 : i32
      %lt3A_145 = arith.constant 64 : i32
      %lt3A_146 = arith.cmpi slt, %sub3A_144, %lt3A_145 : i32
      %convert_element_type3A_147 = arith.extui %lt3A_146 : i1 to i32
      %cond3A_148 = arith.constant 0 : i32
      %cond3A_149 = arith.cmpi ne, %convert_element_type3A_147, %cond3A_148 : i32
      scf.if %cond3A_149 {
        %add3A_150 = arith.constant 4 : i32
        %add3A_151 = arith.addi %add3A_125, %add3A_150 : i32
        %sub3A_152 = arith.constant 2 : i32
        %sub3A_153 = arith.subi %add3A_151, %sub3A_152 : i32
        %ge3A = arith.constant 4 : i32
        %ge3A_154 = arith.cmpi sge, %sub3A_153, %ge3A : i32
        %convert_element_type3A_155 = arith.extui %ge3A_154 : i1 to i32
        %cond3A_156 = arith.constant 0 : i32
        %cond3A_157 = arith.cmpi ne, %convert_element_type3A_155, %cond3A_156 : i32
        scf.if %cond3A_157 {
          %sub3A_169 = arith.constant 2 : i32
          %sub3A_170 = arith.subi %add3A_125, %sub3A_169 : i32
          %mul3A_171 = arith.constant 8 : i32
          %mul3A_172 = arith.muli %sub3A_170, %mul3A_171 : i32
          %multiple_of3A_173 = tpu.assume_multiple %mul3A_172, 8 : i32
          %add3A_174 = arith.addi %multiple_of3A, %multiple_of3A_173 : i32
          %dma_wait3A_175 = arith.constant 0 : i32
          %dma_wait3A_176 = tpu.memref_slice %arg4[%add3A_174, %dma_wait3A_175] : memref<16384x2048xf32, #tpu.memory_space<hbm>> -> memref<8x2048xf32, #tpu.memory_space<hbm>>
          %dma_wait3A_177 = arith.constant 0 : i32
          %dma_wait3A_178 = tpu.memref_slice %arg4[%add3A_174, %dma_wait3A_177] : memref<16384x2048xf32, #tpu.memory_space<hbm>> -> memref<8x2048xf32, #tpu.memory_space<hbm>>
          tpu.wait_dma2 semaphore(%arg15 : memref<!tpu.dma_semaphore, #tpu.memory_space<semaphore_mem>>) src(%arg7 : memref<8x2048xf32, #tpu.memory_space<vmem>>) dst(%dma_wait3A_178 : memref<8x2048xf32, #tpu.memory_space<hbm>>)
        } else {
        }
        %add3A_158 = arith.constant 4 : i32
        %add3A_159 = arith.addi %add3A_125, %add3A_158 : i32
        %sub3A_160 = arith.constant 2 : i32
        %sub3A_161 = arith.subi %add3A_159, %sub3A_160 : i32
        %mul3A_162 = arith.constant 8 : i32
        %mul3A_163 = arith.muli %sub3A_161, %mul3A_162 : i32
        %multiple_of3A_164 = tpu.assume_multiple %mul3A_163, 8 : i32
        %dma_start3A_165 = tpu.memref_slice %arg5[%multiple_of3A_164] : memref<512xi32, #tpu.memory_space<vmem>> -> memref<8xi32, #tpu.memory_space<vmem>>
        %dma_start3A_166 = arith.constant 0 : i32
        %dma_start3A_167 = arith.constant 0 : i32
        %dma_start3A_168 = tpu.memref_slice %arg2[%dma_start3A_166, %dma_start3A_167] : memref<151936x2048xf32, #tpu.memory_space<hbm>> -> memref<151936x2048xf32, #tpu.memory_space<hbm>>
        tpu.enqueue_indirect_dma source(%dma_start3A_168 : memref<151936x2048xf32, #tpu.memory_space<hbm>>) target(%arg7 : memref<8x2048xf32, #tpu.memory_space<vmem>>) offsets(%dma_start3A_165 : memref<8xi32, #tpu.memory_space<vmem>>) semaphore(%arg11 : memref<!tpu.dma_semaphore, #tpu.memory_space<semaphore_mem>>)
      } else {
      }
    }
    %scan3A_17 = arith.constant 16 : i32
    %multiple_of3A_18 = arith.constant 480 : i32
    %multiple_of3A_19 = tpu.assume_multiple %multiple_of3A_18, 8 : i32
    %add3A_20 = arith.addi %multiple_of3A, %multiple_of3A_19 : i32
    %dma_wait3A = arith.constant 0 : i32
    %dma_wait3A_21 = tpu.memref_slice %arg4[%add3A_20, %dma_wait3A] : memref<16384x2048xf32, #tpu.memory_space<hbm>> -> memref<8x2048xf32, #tpu.memory_space<hbm>>
    %dma_wait3A_22 = arith.constant 0 : i32
    %dma_wait3A_23 = tpu.memref_slice %arg4[%add3A_20, %dma_wait3A_22] : memref<16384x2048xf32, #tpu.memory_space<hbm>> -> memref<8x2048xf32, #tpu.memory_space<hbm>>
    tpu.wait_dma2 semaphore(%arg14 : memref<!tpu.dma_semaphore, #tpu.memory_space<semaphore_mem>>) src(%arg6 : memref<8x2048xf32, #tpu.memory_space<vmem>>) dst(%dma_wait3A_23 : memref<8x2048xf32, #tpu.memory_space<hbm>>)
    %multiple_of3A_24 = arith.constant 488 : i32
    %multiple_of3A_25 = tpu.assume_multiple %multiple_of3A_24, 8 : i32
    %add3A_26 = arith.addi %multiple_of3A, %multiple_of3A_25 : i32
    %dma_wait3A_27 = arith.constant 0 : i32
    %dma_wait3A_28 = tpu.memref_slice %arg4[%add3A_26, %dma_wait3A_27] : memref<16384x2048xf32, #tpu.memory_space<hbm>> -> memref<8x2048xf32, #tpu.memory_space<hbm>>
    %dma_wait3A_29 = arith.constant 0 : i32
    %dma_wait3A_30 = tpu.memref_slice %arg4[%add3A_26, %dma_wait3A_29] : memref<16384x2048xf32, #tpu.memory_space<hbm>> -> memref<8x2048xf32, #tpu.memory_space<hbm>>
    tpu.wait_dma2 semaphore(%arg15 : memref<!tpu.dma_semaphore, #tpu.memory_space<semaphore_mem>>) src(%arg7 : memref<8x2048xf32, #tpu.memory_space<vmem>>) dst(%dma_wait3A_30 : memref<8x2048xf32, #tpu.memory_space<hbm>>)
    %multiple_of3A_31 = arith.constant 496 : i32
    %multiple_of3A_32 = tpu.assume_multiple %multiple_of3A_31, 8 : i32
    %add3A_33 = arith.addi %multiple_of3A, %multiple_of3A_32 : i32
    %dma_wait3A_34 = arith.constant 0 : i32
    %dma_wait3A_35 = tpu.memref_slice %arg4[%add3A_33, %dma_wait3A_34] : memref<16384x2048xf32, #tpu.memory_space<hbm>> -> memref<8x2048xf32, #tpu.memory_space<hbm>>
    %dma_wait3A_36 = arith.constant 0 : i32
    %dma_wait3A_37 = tpu.memref_slice %arg4[%add3A_33, %dma_wait3A_36] : memref<16384x2048xf32, #tpu.memory_space<hbm>> -> memref<8x2048xf32, #tpu.memory_space<hbm>>
    tpu.wait_dma2 semaphore(%arg16 : memref<!tpu.dma_semaphore, #tpu.memory_space<semaphore_mem>>) src(%arg8 : memref<8x2048xf32, #tpu.memory_space<vmem>>) dst(%dma_wait3A_37 : memref<8x2048xf32, #tpu.memory_space<hbm>>)
    %multiple_of3A_38 = arith.constant 504 : i32
    %multiple_of3A_39 = tpu.assume_multiple %multiple_of3A_38, 8 : i32
    %add3A_40 = arith.addi %multiple_of3A, %multiple_of3A_39 : i32
    %dma_wait3A_41 = arith.constant 0 : i32
    %dma_wait3A_42 = tpu.memref_slice %arg4[%add3A_40, %dma_wait3A_41] : memref<16384x2048xf32, #tpu.memory_space<hbm>> -> memref<8x2048xf32, #tpu.memory_space<hbm>>
    %dma_wait3A_43 = arith.constant 0 : i32
    %dma_wait3A_44 = tpu.memref_slice %arg4[%add3A_40, %dma_wait3A_43] : memref<16384x2048xf32, #tpu.memory_space<hbm>> -> memref<8x2048xf32, #tpu.memory_space<hbm>>
    tpu.wait_dma2 semaphore(%arg17 : memref<!tpu.dma_semaphore, #tpu.memory_space<semaphore_mem>>) src(%arg9 : memref<8x2048xf32, #tpu.memory_space<vmem>>) dst(%dma_wait3A_44 : memref<8x2048xf32, #tpu.memory_space<hbm>>)
    return
  }
}

</mosaic_0001>

<sc_bundles>
// kernel: kernel.3.cloned.1.call-start
scs
__scs_entry_jumppad:
0x0: {  	(pc) =	sbr.rel $0x88, $3  }
0x1: {  	(tag) =	ssettag $0x0;
	lr =	simm.s32 $0x1  }
0x2: {  	[smem:$0x3F9F] =	sst lr;
	_ =	strace $0xD0000000  }
0x3: {  	_ = 	snop  }
0x4: {  	_ = 	snop  }
0x5: {  	_ = 	snop  }
0x6: {  	_ = 	snop  }
0x7: {  	_ = 	snop  }
__scs_overlays_trampoline_lowered:
0x8: {  	[smem:$0x3FAE] =	sst s0  }
0x9: {  	[smem:$0x3FAF] =	sst s1  }
0xa: {  	[smem:$0x3FB0] =	sst s2  }
0xb: {  	[smem:$0x3FB1] =	sst s3  }
0xc: {  	[smem:$0x3FB2] =	sst s4  }
0xd: {  	[smem:$0x3FB3] =	sst s5  }
0xe: {  	[smem:$0x3FB4] =	sst s6  }
0xf: {  	[smem:$0x3FB5] =	sst s7  }
0x10: {  	[smem:$0x3FB6] =	sst s8  }
0x11: {  	[smem:$0x3FB7] =	sst s9;
	s0 =	simm.s32 @!p0 $0x0  }
0x12: {  	s1 =	sld [smem:$0x3F9D];
	s0 =	simm.s32 @p0 $0x1  }
0x13: {  	[smem:$0x3FB8] =	sst s0;
	s0 =	simm.s32 @!p1 $0x0  }
0x14: {  	s2 =	sld [smem:$0x3F9C];
	s0 =	simm.s32 @p1 $0x1  }
0x15: {  	[smem:$0x3FB9] =	sst s0;
	s0 =	simm.s32 @!p2 $0x0  }
0x16: {  	s3 =	sld [smem:$0x3FDB];
	s0 =	simm.s32 @p2 $0x1  }
0x17: {  	s4 =	simm.s32 $0x1BF5;
	[smem:$0x3FBB] =	sst s0  }
0x18: {  	s0 =	sld [smem:$0x3F9E];
	_ =	swait.ge [sflag:s4], $0x0  }
0x19: {  	s7 =	sld [smem:$0x3F9F]  }
0x1a: {  	s8 =	sadd.s32 $0xFFFFE003, lr  }
0x1b: {  	s9 =	sadd.s32 $0xFFFFFEF7, lr;
	s5 =	simm.s32 $0xFFFFFFFF;
	p2 =	slt.u32 s8, $0xFFFFF086  }
0x1c: {  	p1 =	slt.u32 s9, $0xF7A;
	s5 =	simm.s32 @!p2 $0x0  }
0x1d: {  	s5 =	simm.s32 @p1 $0x1;
	p0 =	seq.s32 s7, s2  }
0x1e: {  	s7 =	smul.u32 @!p0 $0xF7A, s2;
	p2 =	seq.s32 @!p0 s5, $0x0  }
0x1f: {  	s9 =	smul.u32 $0xF7A, s1;
	s8 =	simm.s32 @!p0 $0x1BF5;
	p2 =	por !p2, p0  }
0x20: {  	[sflag:s8] =	ssyncset.s32 @!p0 $0xFFFFF086;
	s6 =	sadd.s32 @!p0 s3, s7;
	s7 =	simm.s32 @!p0 $0x108  }
0x21: {  	s3 =	sadd.s32 s3, s9;
	s6 =	sadd.s32 @!p0 $0x88, s6;
	s7 =	simm.s32 @p2 $0x1082  }
0x22: {  	[simem:s7], [sflag:s8] =	dma.local @!p0 [hbm:s6], $0xF7A  }
0x23: {  	s9 =	sor.u32 $0xD0000000, s2;
	s6 =	simm.s32 $0x108;
	_ =	swait.ge @!p0 [sflag:s8], $0x0  }
0x24: {  	s3 =	sadd.s32 $0x88, s3;
	s6 =	simm.s32 @!p1 $0x1082;
	[sflag:s4] =	ssyncset.s32 $0xFFFFF086  }
0x25: {  	[simem:s6], [sflag:s4] =	dma.local [hbm:s3], $0xF7A  }
0x26: {  	[smem:$0x3F9F] =	sst s1;
	(tag) =	ssettag s2;
	_ =	strace s9  }
0x27: {  	s1 =	sld [smem:$0x3FAF]  }
0x28: {  	s2 =	sld [smem:$0x3FB0]  }
0x29: {  	s4 =	sld [smem:$0x3FB2]  }
0x2a: {  	p0 =	seq.s32 s5, $0x0;
	s5 =	sld [smem:$0x3FB3]  }
0x2b: {  	s6 =	sld [smem:$0x3FB4]  }
0x2c: {  	s7 =	sld [smem:$0x3FB5]  }
0x2d: {  	s3 =	simm.s32 $0x108;
	s8 =	sld [smem:$0x3FB6]  }
0x2e: {  	s3 =	simm.s32 @!p0 $0x1082;
	s9 =	sld [smem:$0x3FB7]  }
0x2f: {  	lr =	sadd.s32 s0, s3;
	s0 =	sld [smem:$0x3FAE]  }
0x30: {  	s3 =	sld [smem:$0x3FB1]  }
0x31: {  	[smem:$0x3FBA] =	sst s10  }
0x32: {  	s10 =	sld [smem:$0x3FB8];
	_ =	sdelay $0x3  }
0x33: {  	p0 =	seq.s32 s10, $0x1;
	s10 =	sld [smem:$0x3FBA];
	_ =	sdelay $0x3  }
0x34: {  	[smem:$0x3FBA] =	sst s10  }
0x35: {  	s10 =	sld [smem:$0x3FB9];
	_ =	sdelay $0x3  }
0x36: {  	p1 =	seq.s32 s10, $0x1;
	s10 =	sld [smem:$0x3FBA];
	_ =	sdelay $0x3  }
0x37: {  	[smem:$0x3FBA] =	sst s10  }
0x38: {  	s10 =	sld [smem:$0x3FBB]  }
0x39: {  	_ = 	snop;
	(pc) =	sbr.ind lr, $3  }
0x3a: {  	_ = 	snop  }
0x3b: {  	_ = 	snop  }
0x3c: {  	p2 =	seq.s32 s10, $0x1;
	s10 =	sld [smem:$0x3FBA]  }
0x3d: {  	_ =	shalt  }
0x3e: {  	_ =	shalt  }
0x3f: {  	_ =	shalt  }
0x40: {  	_ =	shalt  }
0x41: {  	_ =	shalt  }
0x42: {  	_ =	shalt  }
0x43: {  	_ =	shalt  }
0x44: {  	_ =	shalt  }
0x45: {  	_ =	shalt  }
0x46: {  	_ =	shalt  }
0x47: {  	_ =	shalt  }
0x48: {  	_ =	shalt  }
0x49: {  	_ =	shalt  }
0x4a: {  	_ =	shalt  }
0x4b: {  	_ =	shalt  }
0x4c: {  	_ =	shalt  }
0x4d: {  	_ =	shalt  }
0x4e: {  	_ =	shalt  }
0x4f: {  	_ =	shalt  }
0x50: {  	_ =	shalt  }
0x51: {  	_ =	shalt  }
0x52: {  	_ =	shalt  }
0x53: {  	_ =	shalt  }
0x54: {  	_ =	shalt  }
0x55: {  	_ =	shalt  }
0x56: {  	_ =	shalt  }
0x57: {  	_ =	shalt  }
0x58: {  	_ =	shalt  }
0x59: {  	_ =	shalt  }
0x5a: {  	_ =	shalt  }
0x5b: {  	_ =	shalt  }
0x5c: {  	_ =	shalt  }
0x5d: {  	_ =	shalt  }
0x5e: {  	_ =	shalt  }
0x5f: {  	_ =	shalt  }
0x60: {  	_ =	shalt  }
0x61: {  	_ =	shalt  }
0x62: {  	_ =	shalt  }
0x63: {  	_ =	shalt  }
0x64: {  	_ =	shalt  }
0x65: {  	_ =	shalt  }
0x66: {  	_ =	shalt  }
0x67: {  	_ =	shalt  }
0x68: {  	_ =	shalt  }
0x69: {  	_ =	shalt  }
0x6a: {  	_ =	shalt  }
0x6b: {  	_ =	shalt  }
0x6c: {  	_ =	shalt  }
0x6d: {  	_ =	shalt  }
0x6e: {  	_ =	shalt  }
0x6f: {  	_ =	shalt  }
0x70: {  	_ =	shalt  }
0x71: {  	_ =	shalt  }
0x72: {  	_ =	shalt  }
0x73: {  	_ =	shalt  }
0x74: {  	_ =	shalt  }
0x75: {  	_ =	shalt  }
0x76: {  	_ =	shalt  }
0x77: {  	_ =	shalt  }
0x78: {  	_ =	shalt  }
0x79: {  	_ =	shalt  }
0x7a: {  	_ =	shalt  }
0x7b: {  	_ =	shalt  }
0x7c: {  	_ =	shalt  }
0x7d: {  	_ =	shalt  }
0x7e: {  	_ =	shalt  }
0x7f: {  	_ =	shalt  }
0x80: {  	_ =	shalt  }
0x81: {  	_ =	shalt  }
0x82: {  	_ =	shalt  }
0x83: {  	_ =	shalt  }
0x84: {  	_ =	shalt  }
0x85: {  	_ =	shalt  }
0x86: {  	_ =	shalt  }
0x87: {  	_ =	shalt  }
.Lfunc_end0:
.L_simem_size_0:
called_computation_lowered:
.L_overlay_start_0:
0x88: {  	s2 =	sld [smem:$0x3FD9]  }
0x89: {  	s3 =	sld [smem:$0x3FFE];
	_ =	sdelay $0x1  }
0x8a: {  	s1 =	srdreg.scid  }
0x8b: {  	s0 =	sand.u32 $0x1, s1  }
0x8c: {  	s17 =	sshll.u32 s0, $0xA;
	s2 =	sadd.s32 s3, s2  }
0x8d: {  	s2 =	sadd.s32 s2, s17  }
0x8e: {  	[smem:$0x3FC6] =	sst s2  }
0x8f: {  	_ = 	snop  }
0x90: {  	s2 =	sld [smem:$0x3FC8]  }
0x91: {  	s18 =	sld [smem:$0x3FD0];
	(tm) =	ssettm $0x1  }
0x92: {  	s4 =	sld [smem:$0x3FFB];
	_ =	sdelay $0x3  }
0x93: {  	_ =	strace s4  }
0x94: {  	s4 =	sld [smem:$0x3FFC];
	_ =	sdelay $0x3  }
0x95: {  	_ =	strace s4  }
0x96: {  	s4 =	sld [smem:$0x3FFD];
	_ =	sdelay $0x3  }
0x97: {  	_ =	strace s4  }
0x98: {  	_ =	strace $0x8FFFFFFF  }
0x99: {  	s19 =	sld [smem:$0x3FDB];
	_ =	sdelay $0x1  }
0x9a: {  	s5 =	simm.s32 $_scs_section_size  }
0x9b: {  	s6 =	simm.s32 $_size__tile_overlayer_lowered;
	s7 =	simm.s32 $_tile_overlayer_lowered  }
0x9c: {  	s22 =	simm.s32 $0x1BFF;
	s21 =	sshll.u32 s7, $0x1;
	s4 =	sadd.s32 s5, s19  }
0x9d: {  	s8 =	simm.s32 $0x0;
	s20 =	sshll.u32 s6, $0x1;
	s6 =	sadd.s32 s21, s4  }
0x9e: {  	[timem:s8], [sflag:s22] =	dma.local [hbm:s6], s20  }
0x9f: {  	_ =	swait.ge [sflag:s22], s20  }
0xa0: {  	s5 =	ssub.s32 $0x0, s20;
	[sflag:s22] =	ssyncset.done $0x0  }
0xa1: {  	[sflag:s22] =	ssyncadd.s32 s5;
	_ =	sdelay $0x1  }
0xa2: {  	s23 =	simm.s32 $0x1B8B  }
0xa3: {  	_ =	swait.ge [sflag:s23], $0x1  }
0xa4: {  	[sflag:s23] =	ssyncset.done $0x0  }
0xa5: {  	s25 =	simm.s32 $0x1B8E;
	s24 =	sld [smem:$0x3FFE];
	[sflag:s23] =	ssyncadd.s32 $0xFFFFFFFF  }
0xa6: {  	s26 =	simm.s32 $execute0_lowered;
	[smem:$0x3FD2] =	sst s25  }
0xa7: {  	s6 =	sshll.u32 s26, $0x1;
	_ =	strace $0x80000046;
	[dreg:$0x1] =	wrdreg $0xFFFFFFFF  }
0xa8: {  	s28 =	simm.s32 $_size_execute0_lowered;
	s4 =	sadd.s32 s4, s6;
	[dreg:$0x0] =	wrdreg $0x0  }
0xa9: {  	s6 =	sshll.u32 s28, $0x1;
	[dreg:$0x2] =	wrdreg s4  }
0xaa: {  	[dreg:$0x3] =	wrdreg s6  }
0xab: {  	[dreg:$0x4] =	wrdreg $0xC0  }
0xac: {  	_ =	task [dreg:s8], $0x5FFFF  }
0xad: {  	[dreg:$0x1] =	wrdreg $0xFFFFFFFF  }
0xae: {  	[dreg:$0x0] =	wrdreg $0x60  }
0xaf: {  	[dreg:$0x2] =	wrdreg s2  }
0xb0: {  	[dreg:$0x3] =	wrdreg s24  }
0xb1: {  	[dreg:$0x4] =	wrdreg s18  }
0xb2: {  	[dreg:$0x5] =	wrdreg $0x9  }
0xb3: {  	_ =	task.clear_ibuf [dreg:s8], $0x6FFFF;
	_ =	strace $0x90000046  }
0xb4: {  	s29 =	simm.s32 $0x9;
	_ =	strace $0x80000048  }
0xb5: {  	_ =	swait.ge [sflag:s29], $0x1  }
0xb6: {  	[sflag:s29] =	ssyncadd.s32 $0xFFFFFFFF  }
0xb7: {  	_ =	strace $0x90000048  }
0xb8: {  	_ =	sfence  }
0xb9: {  	s30 =	sld [smem:$0x0];
	_ =	sdelay $0x2  }
0xba: {  	s31 =	sshll.u32 s1, $0xD;
	s1 =	sshrl.u32 s1, $0x2  }
0xbb: {  	s3 =	sand.u32 $0x4000, s31;
	s1 =	sadd.s32 s1, s30  }
0xbc: {  	s0 =	sor.u32 s3, s0;
	s1 =	sshll.u32 s1, $0x11  }
0xbd: {  	s0 =	sor.u32 s1, s0  }
0xbe: {  	s0 =	sadd.s32 $0x8F2B, s0  }
0xbf: {  	[sflag:s0] =	ssyncadd.remote.s32 $0x1  }
0xc0: {  	_ =	sfence.sel $0xFFFF  }
0xc1: {  	[dreg:$0x0] =	wrdreg $0xFFFFFFFF;
	(pc) =	sbr.abs _section_cstart, $3  }
0xc2: {  	[dreg:$0x1] =	wrdreg $0xFFFFFFFF  }
0xc3: {  	_ =	task.clear_ibuf [dreg:s8], $0x2FFFF;
	_ =	strace $0x9FFFFFFF  }
0xc4: {  	(tm) =	ssettm $0x7FFFFFFF  }
0xc5: {  	_ =	shalt  }
tec
execute0_lowered:
.L_overlay_start_1:
0x0: {  	(tag) =	ssettag $0x1  }
0x1: {  	s2 =	rddreg [dreg:$0x0]  }
0x2: {  	s0 =	rddreg [dreg:$0x1]  }
0x3: {  	s1 =	srdreg.scid;
	s4 =	rddreg [dreg:$0x2]  }
0x4: {  	s14 =	stileid.u32;
	s3 =	simm.s32 $0x0;
	s18 =	simm.s32 $0x200  }
0x5: {  	s28 =	simm.s32 $0xC200;
	s31 =	simm.s32 $0xDA00;
	s17 =	simm.s32 $0xFA00  }
0x6: {  	s19 =	simm.s32 $0x3;
	s20 =	simm.s32 $0x4;
	s21 =	simm.s32 $0x5  }
0x7: {  	s22 =	simm.s32 $0x6;
	s29 =	simm.s32 $0x0;
	s1 =	sand.u32 $0x1, s1  }
0x8: {  	s5 =	sshll.u32 s14, $0xA;
	[smem:$0x7FF] =	sst s3;
	s8 =	sadd.s32 $0x400, s2  }
0x9: {  	s9 =	sadd.s32 $0x500, s2;
	s10 =	sadd.s32 $0x600, s2;
	s11 =	sadd.s32 $0x700, s2  }
0xa: {  	s26 =	sshll.u32 s14, $0x12;
	s6 =	sshll.u32 s1, $0x9;
	s23 =	ssub.s32 $0x2, s1  }
0xb: {  	_ =	strace $0x80000047;
	s1 =	sshll.u32 s1, $0x11;
	s12 =	sor.u32 s6, s5  }
0xc: {  	s7 =	sshrl.u32 s23, $0x1;
	s5 =	sadd.s32 $0x100, s2;
	s6 =	sshrl.u32 s12, $0x3  }
0xd: {  	s13 =	ssub.s32 s23, s7;
	s7 =	sadd.s32 $0x300, s2;
	s24 =	sshll.u32 s12, $0x8  }
0xe: {  	s12 =	simm.s32 $0x1;
	s0 =	sadd.s32 s6, s0;
	s6 =	sadd.s32 $0x200, s2  }
0xf: {  	s25 =	smax.u32 s13, $0x1;
	s13 =	simm.s32 $0x8200;
	s0 =	sadd.s32 $0x400, s0  }
.Ltmp0:
0x10: {  	[dreg:$0x5] =	wrdreg s25;
	s25 =	simm.s32 $0x2;
	(pc) =	sbr.rel .LBB2_1-.Ltmp0, $4  }
0x11: {  	[dreg:$0x4] =	wrdreg s0;
	s0 =	sadd.s32 s24, s4;
	s4 =	sadd.s32 s26, s4  }
0x12: {  	v0 =	vlaneseq.u32;
	s26 =	simm.s32 $0x4200;
	s30 =	sadd.s32 $0x1F800, s0;
	s14 =	sadd.s32 s1, s4  }
0x13: {  	v1 =	vshrl.u32 v0, $0x3;
	s15 =	sadd.s32 $0x1800, s0;
	s16 =	sadd.s32 $0x1000, s0;
	s0 =	simm.s32 $0xE200  }
0x14: {  	vm0 =	vmmov $0xffff;
	v0 =	vand.u32 $0x7, v0;
	v1 =	vmul.u32 $0x8, v1;
	s1 =	simm.s32 $0xEA00;
	s4 =	simm.s32 $0xF200;
	[dreg:$0x6] =	wrdreg s30  }
.LBB2_4:
0x15: {  	_ =	swait.ge [sflag:s20], $0x4000  }
0x16: {  	[sflag:s20] =	ssyncset.done $0x0  }
0x17: {  	s23 =	rddreg [dreg:$0x6];
	[sflag:s20] =	ssyncadd.s32 $0xFFFFC000  }
0x18: {  	[hbm4b:s23+s3] =	stream.linear.scatter [tilespmem:s28], [sflag:$0x8], $0x4000, $0x38;
	[tilespmem:$0x10200] =	vst v63  }
0x19: {  	_ =	swait.ge [sflag:s21], $0x4000  }
0x1a: {  	[sflag:s21] =	ssyncset.done $0x0  }
0x1b: {  	[sflag:s21] =	ssyncadd.s32 $0xFFFFC000  }
0x1c: {  	_ =	swait.ge [sflag:s22], $0x4000  }
0x1d: {  	[sflag:s22] =	ssyncset.done $0x0  }
0x1e: {  	s24 =	simm.s32 $0x7;
	[sflag:s22] =	ssyncadd.s32 $0xFFFFC000  }
0x1f: {  	_ =	swait.ge [sflag:s24], $0x4000  }
0x20: {  	[sflag:s24] =	ssyncset.done $0x0  }
0x21: {  	[sflag:s24] =	ssyncadd.s32 $0xFFFFC000;
	s24 =	simm.s32 $0x8  }
0x22: {  	_ =	swait.ge [sflag:s24], $0x4000  }
0x23: {  	s29 =	rddreg [dreg:$0x7]  }
0x24: {  	s30 =	rddreg [dreg:$0x5];
	s29 =	sadd.s32 $0x1, s29  }
0x25: {  	p0 =	sne.s32 s29, s30  }
.Ltmp1:
0x26: {  	_ = 	snop;
	(pc) =	sbr.rel @!p0 .LBB2_5-.Ltmp1, $3  }
0x27: {  	_ =	sdelay $0x1  }
0x28: {  	[sflag:s24] =	ssyncset.done $0x0  }
0x29: {  	[sflag:s24] =	ssyncadd.s32 $0xFFFFC000  }
.LBB2_1:
0x2a: {  	[dreg:$0x7] =	wrdreg s29  }
0x2b: {  	s23 =	rddreg [dreg:$0x4];
	s24 =	simm.s32 $0x9  }
0x2c: {  	[tilespmem:s3], [sflag:$0x9] =	stream.linear.gather [hbm4b:s23+s3], $0x200, $0x38;
	[tilespmem:$0x10200] =	vst v63  }
0x2d: {  	_ =	swait.ge [sflag:s24], $0x200  }
0x2e: {  	[sflag:s24] =	ssyncset.done $0x0  }
0x2f: {  	[sflag:s24] =	ssyncadd.s32 $0xFFFFFE00  }
0x30: {  	v2 =	vld.msk [tilespmem:$0x0], $0xff;
	_ =	sdelay $0x4  }
0x31: {  	v3 =	vshll.u32 v2, $0x4  }
0x32: {  	v2 =	vand.u32 $0x7, v2;
	v3 =	vand.u32 $0xFFFFFF80, v3  }
0x33: {  	v2 =	vor.u32 v2, v3  }
0x34: {  	v2 =	vperm.xlane v2, v0;
	_ =	sdelay $0x1  }
0x35: {  	v2 =	vadd.s32 v1, v2;
	_ =	sdelay $0x4  }
0x36: {  	[tilespmem:s18], [sflag:$0x1] =	stream.indirect_vreg.gather [hbm4b:s2+s3], $0x80, v2, vm0, $0xb8;
	[tilespmem:$0x10200] =	vst v63  }
0x37: {  	s29 =	simm.s32 $0xA00  }
0x38: {  	[tilespmem:s29], [sflag:$0x1] =	stream.indirect_vreg.gather [hbm4b:s5+s3], $0x80, v2, vm0, $0xb8;
	[tilespmem:$0x10200] =	vst v63  }
0x39: {  	s30 =	simm.s32 $0x1200  }
0x3a: {  	[tilespmem:s30], [sflag:$0x1] =	stream.indirect_vreg.gather [hbm4b:s6+s3], $0x80, v2, vm0, $0xb8;
	[tilespmem:$0x10200] =	vst v63  }
0x3b: {  	s24 =	simm.s32 $0x1A00  }
0x3c: {  	[tilespmem:s24], [sflag:$0x1] =	stream.indirect_vreg.gather [hbm4b:s7+s3], $0x80, v2, vm0, $0xb8;
	[tilespmem:$0x10200] =	vst v63  }
0x3d: {  	s29 =	simm.s32 $0x2200  }
0x3e: {  	[tilespmem:s29], [sflag:$0x1] =	stream.indirect_vreg.gather [hbm4b:s8+s3], $0x80, v2, vm0, $0xb8;
	[tilespmem:$0x10200] =	vst v63  }
0x3f: {  	s30 =	simm.s32 $0x2A00  }
0x40: {  	[tilespmem:s30], [sflag:$0x1] =	stream.indirect_vreg.gather [hbm4b:s9+s3], $0x80, v2, vm0, $0xb8;
	[tilespmem:$0x10200] =	vst v63  }
0x41: {  	s24 =	simm.s32 $0x3200  }
0x42: {  	[tilespmem:s24], [sflag:$0x1] =	stream.indirect_vreg.gather [hbm4b:s10+s3], $0x80, v2, vm0, $0xb8;
	[tilespmem:$0x10200] =	vst v63  }
0x43: {  	s29 =	simm.s32 $0x3A00  }
0x44: {  	[tilespmem:s29], [sflag:$0x1] =	stream.indirect_vreg.gather [hbm4b:s11+s3], $0x80, v2, vm0, $0xb8;
	[tilespmem:$0x10200] =	vst v63  }
0x45: {  	v2 =	vld.msk [tilespmem:$0x8], $0xff;
	_ =	sdelay $0x4  }
0x46: {  	v3 =	vshll.u32 v2, $0x4  }
0x47: {  	v2 =	vand.u32 $0x7, v2;
	v3 =	vand.u32 $0xFFFFFF80, v3  }
0x48: {  	v2 =	vor.u32 v2, v3  }
0x49: {  	v2 =	vperm.xlane v2, v0;
	_ =	sdelay $0x1  }
0x4a: {  	v2 =	vadd.s32 v1, v2;
	_ =	sdelay $0x4  }
0x4b: {  	[tilespmem:s26], [sflag:$0x2] =	stream.indirect_vreg.gather [hbm4b:s2+s3], $0x80, v2, vm0, $0xb8;
	[tilespmem:$0x10200] =	vst v63  }
0x4c: {  	s30 =	simm.s32 $0x4A00  }
0x4d: {  	[tilespmem:s30], [sflag:$0x2] =	stream.indirect_vreg.gather [hbm4b:s5+s3], $0x80, v2, vm0, $0xb8;
	[tilespmem:$0x10200] =	vst v63  }
0x4e: {  	s24 =	simm.s32 $0x5200  }
0x4f: {  	[tilespmem:s24], [sflag:$0x2] =	stream.indirect_vreg.gather [hbm4b:s6+s3], $0x80, v2, vm0, $0xb8;
	[tilespmem:$0x10200] =	vst v63  }
0x50: {  	s29 =	simm.s32 $0x5A00  }
0x51: {  	[tilespmem:s29], [sflag:$0x2] =	stream.indirect_vreg.gather [hbm4b:s7+s3], $0x80, v2, vm0, $0xb8;
	[tilespmem:$0x10200] =	vst v63  }
0x52: {  	s30 =	simm.s32 $0x6200  }
0x53: {  	[tilespmem:s30], [sflag:$0x2] =	stream.indirect_vreg.gather [hbm4b:s8+s3], $0x80, v2, vm0, $0xb8;
	[tilespmem:$0x10200] =	vst v63  }
0x54: {  	s24 =	simm.s32 $0x6A00  }
0x55: {  	[tilespmem:s24], [sflag:$0x2] =	stream.indirect_vreg.gather [hbm4b:s9+s3], $0x80, v2, vm0, $0xb8;
	[tilespmem:$0x10200] =	vst v63  }
0x56: {  	s29 =	simm.s32 $0x7200  }
0x57: {  	[tilespmem:s29], [sflag:$0x2] =	stream.indirect_vreg.gather [hbm4b:s10+s3], $0x80, v2, vm0, $0xb8;
	[tilespmem:$0x10200] =	vst v63  }
0x58: {  	s23 =	simm.s32 $0x18;
	s30 =	simm.s32 $0x7A00;
	s24 =	simm.s32 $0x0  }
0x59: {  	[tilespmem:s30], [sflag:$0x2] =	stream.indirect_vreg.gather [hbm4b:s11+s3], $0x80, v2, vm0, $0xb8;
	[tilespmem:$0x10200] =	vst v63  }
.LBB2_2:
0x5a: {  	_ =	swait.ge [sflag:s12], $0x4000  }
0x5b: {  	p0 =	seq.s32 s24, $0x0;
	[sflag:s12] =	ssyncset.done $0x0  }
0x5c: {  	s29 =	sadd.s32 s24, s14;
	s30 =	simm.s32 @!p0 $0x7;
	[sflag:s12] =	ssyncadd.s32 $0xFFFFC000  }
0x5d: {  	[hbm4b:s29+s3] =	stream.linear.scatter [tilespmem:s18], [sflag:$0x5], $0x4000, $0x38;
	[tilespmem:$0x10200] =	vst v63  }
0x5e: {  	_ =	swait.ge @!p0 [sflag:s30], $0x4000  }
0x5f: {  	[sflag:s30] =	ssyncset.done @!p0 $0x0  }
0x60: {  	[sflag:s30] =	ssyncadd.s32 @!p0 $0xFFFFC000  }
0x61: {  	v2 =	vld.msk [tilespmem:s23+$0xFFFFFFF8], $0xff;
	_ =	sdelay $0x4  }
0x62: {  	v3 =	vshll.u32 v2, $0x4  }
0x63: {  	v2 =	vand.u32 $0x7, v2;
	v3 =	vand.u32 $0xFFFFFF80, v3  }
0x64: {  	v2 =	vor.u32 v2, v3  }
0x65: {  	v2 =	vperm.xlane v2, v0;
	_ =	sdelay $0x1  }
0x66: {  	v2 =	vadd.s32 v1, v2;
	_ =	sdelay $0x4  }
0x67: {  	[tilespmem:s13], [sflag:$0x3] =	stream.indirect_vreg.gather [hbm4b:s2+s3], $0x80, v2, vm0, $0xb8;
	[tilespmem:$0x10200] =	vst v63  }
0x68: {  	s30 =	simm.s32 $0x8A00  }
0x69: {  	[tilespmem:s30], [sflag:$0x3] =	stream.indirect_vreg.gather [hbm4b:s5+s3], $0x80, v2, vm0, $0xb8;
	[tilespmem:$0x10200] =	vst v63  }
0x6a: {  	s30 =	simm.s32 $0x9200  }
0x6b: {  	[tilespmem:s30], [sflag:$0x3] =	stream.indirect_vreg.gather [hbm4b:s6+s3], $0x80, v2, vm0, $0xb8;
	[tilespmem:$0x10200] =	vst v63  }
0x6c: {  	s30 =	simm.s32 $0x9A00  }
0x6d: {  	[tilespmem:s30], [sflag:$0x3] =	stream.indirect_vreg.gather [hbm4b:s7+s3], $0x80, v2, vm0, $0xb8;
	[tilespmem:$0x10200] =	vst v63  }
0x6e: {  	s30 =	simm.s32 $0xA200  }
0x6f: {  	[tilespmem:s30], [sflag:$0x3] =	stream.indirect_vreg.gather [hbm4b:s8+s3], $0x80, v2, vm0, $0xb8;
	[tilespmem:$0x10200] =	vst v63  }
0x70: {  	s30 =	simm.s32 $0xAA00  }
0x71: {  	[tilespmem:s30], [sflag:$0x3] =	stream.indirect_vreg.gather [hbm4b:s9+s3], $0x80, v2, vm0, $0xb8;
	[tilespmem:$0x10200] =	vst v63  }
0x72: {  	s30 =	simm.s32 $0xB200  }
0x73: {  	[tilespmem:s30], [sflag:$0x3] =	stream.indirect_vreg.gather [hbm4b:s10+s3], $0x80, v2, vm0, $0xb8;
	[tilespmem:$0x10200] =	vst v63  }
0x74: {  	s30 =	simm.s32 $0xBA00  }
0x75: {  	[tilespmem:s30], [sflag:$0x3] =	stream.indirect_vreg.gather [hbm4b:s11+s3], $0x80, v2, vm0, $0xb8;
	[tilespmem:$0x10200] =	vst v63  }
0x76: {  	_ =	swait.ge [sflag:s25], $0x4000  }
0x77: {  	[sflag:s25] =	ssyncset.done $0x0  }
0x78: {  	s29 =	sadd.s32 $0x800, s29;
	[sflag:s25] =	ssyncadd.s32 $0xFFFFC000  }
0x79: {  	[hbm4b:s29+s3] =	stream.linear.scatter [tilespmem:s26], [sflag:$0x6], $0x4000, $0x38;
	[tilespmem:$0x10200] =	vst v63  }
0x7a: {  	s29 =	simm.s32 @!p0 $0x8  }
0x7b: {  	_ =	swait.ge @!p0 [sflag:s29], $0x4000  }
0x7c: {  	[sflag:s29] =	ssyncset.done @!p0 $0x0  }
0x7d: {  	[sflag:s29] =	ssyncadd.s32 @!p0 $0xFFFFC000  }
0x7e: {  	v2 =	vld.msk [tilespmem:s23+$0x0], $0xff;
	_ =	sdelay $0x4  }
0x7f: {  	v3 =	vshll.u32 v2, $0x4  }
0x80: {  	v2 =	vand.u32 $0x7, v2;
	v3 =	vand.u32 $0xFFFFFF80, v3  }
0x81: {  	v2 =	vor.u32 v2, v3  }
0x82: {  	v2 =	vperm.xlane v2, v0;
	_ =	sdelay $0x1  }
0x83: {  	v2 =	vadd.s32 v1, v2;
	_ =	sdelay $0x4  }
0x84: {  	[tilespmem:s28], [sflag:$0x4] =	stream.indirect_vreg.gather [hbm4b:s2+s3], $0x80, v2, vm0, $0xb8;
	[tilespmem:$0x10200] =	vst v63  }
0x85: {  	s30 =	simm.s32 $0xCA00  }
0x86: {  	[tilespmem:s30], [sflag:$0x4] =	stream.indirect_vreg.gather [hbm4b:s5+s3], $0x80, v2, vm0, $0xb8;
	[tilespmem:$0x10200] =	vst v63  }
0x87: {  	s30 =	simm.s32 $0xD200  }
0x88: {  	[tilespmem:s30], [sflag:$0x4] =	stream.indirect_vreg.gather [hbm4b:s6+s3], $0x80, v2, vm0, $0xb8;
	[tilespmem:$0x10200] =	vst v63  }
0x89: {  	_ = 	snop  }
0x8a: {  	[tilespmem:s31], [sflag:$0x4] =	stream.indirect_vreg.gather [hbm4b:s7+s3], $0x80, v2, vm0, $0xb8;
	[tilespmem:$0x10200] =	vst v63  }
0x8b: {  	_ = 	snop  }
0x8c: {  	[tilespmem:s0], [sflag:$0x4] =	stream.indirect_vreg.gather [hbm4b:s8+s3], $0x80, v2, vm0, $0xb8;
	[tilespmem:$0x10200] =	vst v63  }
0x8d: {  	_ = 	snop  }
0x8e: {  	[tilespmem:s1], [sflag:$0x4] =	stream.indirect_vreg.gather [hbm4b:s9+s3], $0x80, v2, vm0, $0xb8;
	[tilespmem:$0x10200] =	vst v63  }
0x8f: {  	_ = 	snop  }
0x90: {  	[tilespmem:s4], [sflag:$0x4] =	stream.indirect_vreg.gather [hbm4b:s10+s3], $0x80, v2, vm0, $0xb8;
	[tilespmem:$0x10200] =	vst v63  }
0x91: {  	p0 =	seq.s32 s24, $0x1E000  }
0x92: {  	[tilespmem:s17], [sflag:$0x4] =	stream.indirect_vreg.gather [hbm4b:s11+s3], $0x80, v2, vm0, $0xb8;
	[tilespmem:$0x10200] =	vst v63  }
.Ltmp2:
0x93: {  	_ = 	snop;
	(pc) =	sbr.rel @p0 .LBB2_4-.Ltmp2, $4  }
0x94: {  	_ =	swait.ge [sflag:s19], $0x4000  }
0x95: {  	[sflag:s19] =	ssyncset.done $0x0  }
0x96: {  	s30 =	sadd.s32 s24, s16;
	[sflag:s19] =	ssyncadd.s32 $0xFFFFC000  }
0x97: {  	[hbm4b:s30+s3] =	stream.linear.scatter [tilespmem:s13], [sflag:$0x7], $0x4000, $0x38;
	[tilespmem:$0x10200] =	vst v63  }
0x98: {  	_ =	swait.ge [sflag:s21], $0x4000  }
0x99: {  	[sflag:s21] =	ssyncset.done $0x0  }
0x9a: {  	[sflag:s21] =	ssyncadd.s32 $0xFFFFC000  }
0x9b: {  	v2 =	vld.msk [tilespmem:s23+$0x8], $0xff;
	_ =	sdelay $0x4  }
0x9c: {  	v3 =	vshll.u32 v2, $0x4  }
0x9d: {  	v2 =	vand.u32 $0x7, v2;
	v3 =	vand.u32 $0xFFFFFF80, v3  }
0x9e: {  	v2 =	vor.u32 v2, v3  }
0x9f: {  	v2 =	vperm.xlane v2, v0;
	_ =	sdelay $0x1  }
0xa0: {  	v2 =	vadd.s32 v1, v2;
	_ =	sdelay $0x4  }
0xa1: {  	[tilespmem:s18], [sflag:$0x1] =	stream.indirect_vreg.gather [hbm4b:s2+s3], $0x80, v2, vm0, $0xb8;
	[tilespmem:$0x10200] =	vst v63  }
0xa2: {  	s29 =	simm.s32 $0xA00  }
0xa3: {  	[tilespmem:s29], [sflag:$0x1] =	stream.indirect_vreg.gather [hbm4b:s5+s3], $0x80, v2, vm0, $0xb8;
	[tilespmem:$0x10200] =	vst v63  }
0xa4: {  	s30 =	simm.s32 $0x1200  }
0xa5: {  	[tilespmem:s30], [sflag:$0x1] =	stream.indirect_vreg.gather [hbm4b:s6+s3], $0x80, v2, vm0, $0xb8;
	[tilespmem:$0x10200] =	vst v63  }
0xa6: {  	s30 =	simm.s32 $0x1A00  }
0xa7: {  	[tilespmem:s30], [sflag:$0x1] =	stream.indirect_vreg.gather [hbm4b:s7+s3], $0x80, v2, vm0, $0xb8;
	[tilespmem:$0x10200] =	vst v63  }
0xa8: {  	s30 =	simm.s32 $0x2200  }
0xa9: {  	[tilespmem:s30], [sflag:$0x1] =	stream.indirect_vreg.gather [hbm4b:s8+s3], $0x80, v2, vm0, $0xb8;
	[tilespmem:$0x10200] =	vst v63  }
0xaa: {  	s30 =	simm.s32 $0x2A00  }
0xab: {  	[tilespmem:s30], [sflag:$0x1] =	stream.indirect_vreg.gather [hbm4b:s9+s3], $0x80, v2, vm0, $0xb8;
	[tilespmem:$0x10200] =	vst v63  }
0xac: {  	s30 =	simm.s32 $0x3200  }
0xad: {  	[tilespmem:s30], [sflag:$0x1] =	stream.indirect_vreg.gather [hbm4b:s10+s3], $0x80, v2, vm0, $0xb8;
	[tilespmem:$0x10200] =	vst v63  }
0xae: {  	s30 =	simm.s32 $0x3A00  }
0xaf: {  	[tilespmem:s30], [sflag:$0x1] =	stream.indirect_vreg.gather [hbm4b:s11+s3], $0x80, v2, vm0, $0xb8;
	[tilespmem:$0x10200] =	vst v63  }
0xb0: {  	_ =	swait.ge [sflag:s20], $0x4000  }
0xb1: {  	[sflag:s20] =	ssyncset.done $0x0  }
0xb2: {  	s30 =	sadd.s32 s24, s15;
	[sflag:s20] =	ssyncadd.s32 $0xFFFFC000  }
0xb3: {  	[hbm4b:s30+s3] =	stream.linear.scatter [tilespmem:s28], [sflag:$0x8], $0x4000, $0x38;
	[tilespmem:$0x10200] =	vst v63  }
0xb4: {  	_ =	swait.ge [sflag:s22], $0x4000  }
0xb5: {  	[sflag:s22] =	ssyncset.done $0x0  }
0xb6: {  	[sflag:s22] =	ssyncadd.s32 $0xFFFFC000  }
0xb7: {  	v2 =	vld.msk [tilespmem:s23+$0x10], $0xff;
	_ =	sdelay $0x4  }
0xb8: {  	v3 =	vshll.u32 v2, $0x4  }
0xb9: {  	v2 =	vand.u32 $0x7, v2;
	v3 =	vand.u32 $0xFFFFFF80, v3  }
0xba: {  	v2 =	vor.u32 v2, v3  }
0xbb: {  	v2 =	vperm.xlane v2, v0;
	_ =	sdelay $0x1  }
0xbc: {  	v2 =	vadd.s32 v1, v2;
	_ =	sdelay $0x4  }
0xbd: {  	[tilespmem:s26], [sflag:$0x2] =	stream.indirect_vreg.gather [hbm4b:s2+s3], $0x80, v2, vm0, $0xb8;
	[tilespmem:$0x10200] =	vst v63  }
0xbe: {  	s30 =	simm.s32 $0x4A00  }
0xbf: {  	[tilespmem:s30], [sflag:$0x2] =	stream.indirect_vreg.gather [hbm4b:s5+s3], $0x80, v2, vm0, $0xb8;
	[tilespmem:$0x10200] =	vst v63  }
0xc0: {  	s30 =	simm.s32 $0x5200  }
0xc1: {  	[tilespmem:s30], [sflag:$0x2] =	stream.indirect_vreg.gather [hbm4b:s6+s3], $0x80, v2, vm0, $0xb8;
	[tilespmem:$0x10200] =	vst v63  }
0xc2: {  	s30 =	simm.s32 $0x5A00  }
0xc3: {  	[tilespmem:s30], [sflag:$0x2] =	stream.indirect_vreg.gather [hbm4b:s7+s3], $0x80, v2, vm0, $0xb8;
	[tilespmem:$0x10200] =	vst v63  }
0xc4: {  	s30 =	simm.s32 $0x6200  }
0xc5: {  	[tilespmem:s30], [sflag:$0x2] =	stream.indirect_vreg.gather [hbm4b:s8+s3], $0x80, v2, vm0, $0xb8;
	[tilespmem:$0x10200] =	vst v63  }
0xc6: {  	s30 =	simm.s32 $0x6A00  }
0xc7: {  	[tilespmem:s30], [sflag:$0x2] =	stream.indirect_vreg.gather [hbm4b:s9+s3], $0x80, v2, vm0, $0xb8;
	[tilespmem:$0x10200] =	vst v63  }
.Ltmp3:
0xc8: {  	_ = 	snop;
	(pc) =	sbr.rel .LBB2_2-.Ltmp3, $4  }
0xc9: {  	s30 =	simm.s32 $0x7200  }
0xca: {  	[tilespmem:s30], [sflag:$0x2] =	stream.indirect_vreg.gather [hbm4b:s10+s3], $0x80, v2, vm0, $0xb8;
	[tilespmem:$0x10200] =	vst v63  }
0xcb: {  	s24 =	sadd.s32 $0x2000, s24;
	s23 =	sadd.s32 $0x20, s23;
	s30 =	simm.s32 $0x7A00  }
0xcc: {  	[tilespmem:s30], [sflag:$0x2] =	stream.indirect_vreg.gather [hbm4b:s11+s3], $0x80, v2, vm0, $0xb8;
	[tilespmem:$0x10200] =	vst v63  }
.LBB2_5:
0xcd: {  	_ =	sfence.sel $0x180000  }
0xce: {  	[bflag:$0x0] =	sbarrier.arrive $0xFFFF  }
0xcf: {  	_ =	strace $0x90000047  }
0xd0: {  	s0 =	stileid.u32;
	[bflag:$0x2] =	sbarrier.arrive $0xFFFF  }
0xd1: {  	p0 =	sne.s32 s0, $0x0;
	s0 =	rddreg [dreg:$0x3]  }
0xd2: {  	s0 =	sadd.s32 @!p0 $0x100000, s0  }
0xd3: {  	[sflag:s0] =	ssyncadd.tile.s32 @!p0 $0x1;
	_ =	shalt  }
.Lfunc_end2:
_tile_overlayer_lowered:
.L_overlay_start_2:
0xd4: {  	(tag) =	ssettag $0x2  }
0xd5: {  	s0 =	rddreg [dreg:$0x0];
	s2 =	stileid.u32  }
0xd6: {  	s1 =	rddreg [dreg:$0x1];
	p0 =	sne.s32 s2, $0x0  }
0xd7: {  	s3 =	rddreg [dreg:$0x2];
	[bflag:$0x3] =	sbarrier.arrive $0xFFFF;
	s2 =	simm.s32 @!p0 $0x1C09  }
0xd8: {  	[timem:s3], [sflag:s2] =	dma.local @!p0 [hbm:s0], s1  }
0xd9: {  	s0 =	simm.s32 @!p0 $0x9  }
0xda: {  	_ =	swait.ge @!p0 [sflag:s0], s1  }
0xdb: {  	s1 =	ssub.s32 @!p0 $0x0, s1;
	[sflag:s0] =	ssyncset.done @!p0 $0x0  }
0xdc: {  	[sflag:s0] =	ssyncadd.s32 @!p0 s1  }
0xdd: {  	[bflag:$0x3] =	sbarrier.arrive $0xFFFF  }
0xde: {  	_ =	shalt  }

</sc_bundles>
